<compile_context>
chip_gen: v7x
topology: tpu7x:2x2x1
jax: 0.10.2.dev20260603
libtpu: 0.0.44.dev20260713+nightly
codegen_flags: <defaults>
</compile_context>

<pallas_src>
import functools

import jax
import jax.numpy as jnp
from jax import lax
from jax.experimental import pallas as pl
from jax.experimental.pallas import tpu as pltpu
from jax.experimental.pallas import tpu_sc as plsc

DOC = 2048
VOCAB = 70
LANES = 16
NW = 16
RPW = DOC // NW
IDXBUF = RPW + LANES


def _sc_body(idx_hbm, out_hbm, idx_v, buf, sem):
    wid = lax.axis_index("s")
    base = wid * RPW
    win = jnp.minimum(base, DOC - IDXBUF)
    shift = base - win
    cp = pltpu.async_copy(idx_hbm.at[pl.ds(win, IDXBUF)], idx_v, sem)

    zeros = jnp.zeros((LANES,), jnp.float32)
    lane = lax.iota(jnp.int32, LANES)

    def _zero(j, carry):
        for t in range(2):
            r = j * 2 + t
            for k in range(64 // LANES):
                buf[r, pl.ds(k * LANES, LANES)] = zeros
            buf[r, pl.ds(VOCAB - LANES, LANES)] = zeros
        return carry

    lax.fori_loop(0, RPW // 2, _zero, 0)

    cp.wait()

    ones = jnp.ones((LANES,), jnp.float32)
    for i in range(RPW // LANES):
        r = lane + (i * LANES)
        o = jnp.minimum(shift + r + 1, IDXBUF - 1)
        c = plsc.load_gather(idx_v, [o])
        valid = (base + r) < (DOC - 1)
        plsc.store_scatter(buf, [r, c], ones, mask=valid)

    pltpu.sync_copy(buf, out_hbm.at[pl.ds(base, RPW), :])


_sc_onehot = functools.partial(
    pl.kernel,
    mesh=plsc.VectorSubcoreMesh(core_axis_name="c", subcore_axis_name="s",
                                num_cores=1),
    out_type=jax.ShapeDtypeStruct((DOC, VOCAB), jnp.float32),
    scratch_types=[
        pltpu.VMEM((IDXBUF,), jnp.int32),
        pltpu.VMEM((RPW, VOCAB), jnp.float32),
        pltpu.SemaphoreType.DMA,
    ],
    compiler_params=pltpu.CompilerParams(needs_layout_passes=False),
)(_sc_body)


@jax.jit
def kernel(vals, index_list):
    del vals
    return _sc_onehot(index_list)

# --- scband reference (transcript-rebuilt; emitter-appended) ---
"""Pipeline reference for scband-text-encoder-transform-interface-67499706024142 (READ-ONLY COPY).

The authoritative reference and input builder live on the scoring server;
editing this copy changes nothing except your own understanding.
"""

import jax, jax.numpy as jnp
import numpy as np

DOC_LENGTH = 2048
VOCAB_LENGTH = 70

def setup_inputs(seed: int = 0) -> dict:
    key = jax.random.key(seed)
    k1, k2 = jax.random.split(key)
    # index_list models the per-item vocabulary indices produced by split()+embed_index()
    index_list = jax.random.randint(k1, (DOC_LENGTH,), 0, VOCAB_LENGTH, dtype=jnp.int64 if jax.config.read('jax_enable_x64') else jnp.int32).astype(jnp.int32)
    # vals models the literal 1.0 written at each (row, col) position
    vals = jnp.ones((DOC_LENGTH - 1,), dtype=jnp.float32)
    return {"vals": vals, "index_list": index_list}

def reference(vals, index_list):
    # Faithful translation of forward(): embedding_tensor = zeros(doc_length, vocab_length);
    # for idx, item_idx in enumerate(index_list[1:]): embedding_tensor[idx, item_idx] = 1
    rows = jnp.arange(DOC_LENGTH - 1)
    cols = index_list[1:]
    embedding_tensor = jnp.zeros((DOC_LENGTH, VOCAB_LENGTH), dtype=jnp.float32)
    embedding_tensor = embedding_tensor.at[rows, cols].set(vals)
    return embedding_tensor

if __name__ == "__main__":
    import jax
    _d = setup_inputs()
    print(jax.jit(kernel)(*tuple(_d.values())))

</pallas_src>

<mosaic_0001>
#map = affine_map<(d0, d1) -> (0)>
#map1 = affine_map<(d0, d1) -> (0, 0)>
module attributes {stable_mosaic.version = 14 : i64} {
  func.func @_sc_body(%arg0: i32, %arg1: i32, %arg2: memref<2048xi32, #tpu.memory_space<hbm>>, %arg3: memref<2048x70xf32, #tpu.memory_space<hbm>>, %arg4: memref<144xi32, #tpu.memory_space<vmem>>, %arg5: memref<128x70xf32, #tpu.memory_space<vmem>>, %arg6: memref<!tpu.dma_semaphore, #tpu.memory_space<semaphore_mem>>) attributes {dimension_semantics = [#tpu.dimension_semantics<core_parallel>, #tpu.dimension_semantics<subcore_parallel>], iteration_bounds = array<i64: 1, 16>, scalar_prefetch = 0 : i64, scratch_operands = 3 : i64, tpu.core_type = #tpu.core_type<sc_vector_subcore>, window_params = [{transform_indices = #map}, {transform_indices = #map1}]} {
    %mul3A = arith.constant 128 : i32
    %mul3A_0 = arith.muli %arg1, %mul3A : i32
    %min3A = arith.constant 1904 : i32
    %min3A_1 = arith.minsi %mul3A_0, %min3A : i32
    %sub3A = arith.subi %mul3A_0, %min3A_1 : i32
    %dma_start3A = tpu.memref_slice %arg2[%min3A_1] : memref<2048xi32, #tpu.memory_space<hbm>> -> memref<144xi32, #tpu.memory_space<hbm>>
    %dma_start3A_2 = tpu.memref_slice %arg2[%min3A_1] : memref<2048xi32, #tpu.memory_space<hbm>> -> memref<144xi32, #tpu.memory_space<hbm>>
    tpu.enqueue_dma source(%dma_start3A_2 : memref<144xi32, #tpu.memory_space<hbm>>) target(%arg4 : memref<144xi32, #tpu.memory_space<vmem>>) target_semaphore(%arg6 : memref<!tpu.dma_semaphore, #tpu.memory_space<semaphore_mem>>)
    %broadcast_in_dim3A = arith.constant 0.000000e+00 : f32
    %broadcast_in_dim3A_3 = vector.broadcast %broadcast_in_dim3A : f32 to vector<16xf32>
    %iota3A = tpu.iota {dimensions = array<i32: 0>} : vector<16xi32>
    %scan3A = arith.constant 0 : i32
    %scan3A_4 = arith.constant 0 : i32
    %scan3A_5 = arith.constant 64 : i32
    %scan3A_6 = arith.addi %scan3A_4, %scan3A_5 : i32
    %scan3A_7 = arith.constant 1 : i32
    scf.for %scan3A_145 = %scan3A_4 to %scan3A_6 step %scan3A_7  : i32 {
      %mul3A_146 = arith.constant 2 : i32
      %mul3A_147 = arith.muli %scan3A_145, %mul3A_146 : i32
      %add3A_148 = arith.constant 0 : i32
      %add3A_149 = arith.addi %mul3A_147, %add3A_148 : i32
      %swap3A = arith.index_cast %add3A_149 : i32 to index
      %swap3A_150 = arith.constant 0 : index
      %swap3A_151 = tpu.vector_load %arg5[%swap3A, %swap3A_150] {strides = array<i32>} : memref<128x70xf32, #tpu.memory_space<vmem>>, vector<16xf32>,
      tpu.vector_store %arg5[%swap3A, %swap3A_150], %broadcast_in_dim3A_3 {strides = array<i32>} : memref<128x70xf32, #tpu.memory_space<vmem>>, vector<16xf32>,
      %swap3A_152 = arith.index_cast %add3A_149 : i32 to index
      %swap3A_153 = arith.constant 16 : index
      %swap3A_154 = tpu.vector_load %arg5[%swap3A_152, %swap3A_153] {strides = array<i32>} : memref<128x70xf32, #tpu.memory_space<vmem>>, vector<16xf32>,
      tpu.vector_store %arg5[%swap3A_152, %swap3A_153], %broadcast_in_dim3A_3 {strides = array<i32>} : memref<128x70xf32, #tpu.memory_space<vmem>>, vector<16xf32>,
      %swap3A_155 = arith.index_cast %add3A_149 : i32 to index
      %swap3A_156 = arith.constant 32 : index
      %swap3A_157 = tpu.vector_load %arg5[%swap3A_155, %swap3A_156] {strides = array<i32>} : memref<128x70xf32, #tpu.memory_space<vmem>>, vector<16xf32>,
      tpu.vector_store %arg5[%swap3A_155, %swap3A_156], %broadcast_in_dim3A_3 {strides = array<i32>} : memref<128x70xf32, #tpu.memory_space<vmem>>, vector<16xf32>,
      %swap3A_158 = arith.index_cast %add3A_149 : i32 to index
      %swap3A_159 = arith.constant 48 : index
      %swap3A_160 = tpu.vector_load %arg5[%swap3A_158, %swap3A_159] {strides = array<i32>} : memref<128x70xf32, #tpu.memory_space<vmem>>, vector<16xf32>,
      tpu.vector_store %arg5[%swap3A_158, %swap3A_159], %broadcast_in_dim3A_3 {strides = array<i32>} : memref<128x70xf32, #tpu.memory_space<vmem>>, vector<16xf32>,
      %swap3A_161 = arith.index_cast %add3A_149 : i32 to index
      %swap3A_162 = arith.constant 54 : index
      %swap3A_163 = tpu.vector_load %arg5[%swap3A_161, %swap3A_162] {strides = array<i32>} : memref<128x70xf32, #tpu.memory_space<vmem>>, vector<16xf32>,
      tpu.vector_store %arg5[%swap3A_161, %swap3A_162], %broadcast_in_dim3A_3 {strides = array<i32>} : memref<128x70xf32, #tpu.memory_space<vmem>>, vector<16xf32>,
      %mul3A_164 = arith.constant 2 : i32
      %mul3A_165 = arith.muli %scan3A_145, %mul3A_164 : i32
      %add3A_166 = arith.constant 1 : i32
      %add3A_167 = arith.addi %mul3A_165, %add3A_166 : i32
      %swap3A_168 = arith.index_cast %add3A_167 : i32 to index
      %swap3A_169 = arith.constant 0 : index
      %swap3A_170 = tpu.vector_load %arg5[%swap3A_168, %swap3A_169] {strides = array<i32>} : memref<128x70xf32, #tpu.memory_space<vmem>>, vector<16xf32>,
      tpu.vector_store %arg5[%swap3A_168, %swap3A_169], %broadcast_in_dim3A_3 {strides = array<i32>} : memref<128x70xf32, #tpu.memory_space<vmem>>, vector<16xf32>,
      %swap3A_171 = arith.index_cast %add3A_167 : i32 to index
      %swap3A_172 = arith.constant 16 : index
      %swap3A_173 = tpu.vector_load %arg5[%swap3A_171, %swap3A_172] {strides = array<i32>} : memref<128x70xf32, #tpu.memory_space<vmem>>, vector<16xf32>,
      tpu.vector_store %arg5[%swap3A_171, %swap3A_172], %broadcast_in_dim3A_3 {strides = array<i32>} : memref<128x70xf32, #tpu.memory_space<vmem>>, vector<16xf32>,
      %swap3A_174 = arith.index_cast %add3A_167 : i32 to index
      %swap3A_175 = arith.constant 32 : index
      %swap3A_176 = tpu.vector_load %arg5[%swap3A_174, %swap3A_175] {strides = array<i32>} : memref<128x70xf32, #tpu.memory_space<vmem>>, vector<16xf32>,
      tpu.vector_store %arg5[%swap3A_174, %swap3A_175], %broadcast_in_dim3A_3 {strides = array<i32>} : memref<128x70xf32, #tpu.memory_space<vmem>>, vector<16xf32>,
      %swap3A_177 = arith.index_cast %add3A_167 : i32 to index
      %swap3A_178 = arith.constant 48 : index
      %swap3A_179 = tpu.vector_load %arg5[%swap3A_177, %swap3A_178] {strides = array<i32>} : memref<128x70xf32, #tpu.memory_space<vmem>>, vector<16xf32>,
      tpu.vector_store %arg5[%swap3A_177, %swap3A_178], %broadcast_in_dim3A_3 {strides = array<i32>} : memref<128x70xf32, #tpu.memory_space<vmem>>, vector<16xf32>,
      %swap3A_180 = arith.index_cast %add3A_167 : i32 to index
      %swap3A_181 = arith.constant 54 : index
      %swap3A_182 = tpu.vector_load %arg5[%swap3A_180, %swap3A_181] {strides = array<i32>} : memref<128x70xf32, #tpu.memory_space<vmem>>, vector<16xf32>,
      tpu.vector_store %arg5[%swap3A_180, %swap3A_181], %broadcast_in_dim3A_3 {strides = array<i32>} : memref<128x70xf32, #tpu.memory_space<vmem>>, vector<16xf32>,
    }
    %scan3A_8 = arith.constant 64 : i32
    %dma_wait3A = tpu.memref_slice %arg2[%min3A_1] : memref<2048xi32, #tpu.memory_space<hbm>> -> memref<144xi32, #tpu.memory_space<hbm>>
    %dma_wait3A_9 = tpu.memref_slice %arg2[%min3A_1] : memref<2048xi32, #tpu.memory_space<hbm>> -> memref<144xi32, #tpu.memory_space<hbm>>
    tpu.wait_dma2 semaphore(%arg6 : memref<!tpu.dma_semaphore, #tpu.memory_space<semaphore_mem>>) src(%dma_wait3A_9 : memref<144xi32, #tpu.memory_space<hbm>>) dst(%arg4 : memref<144xi32, #tpu.memory_space<vmem>>)
    %broadcast_in_dim3A_10 = arith.constant 1.000000e+00 : f32
    %broadcast_in_dim3A_11 = vector.broadcast %broadcast_in_dim3A_10 : f32 to vector<16xf32>
    %add3A = arith.constant 0 : i32
    %add3A_12 = vector.broadcast %add3A : i32 to vector<16xi32>
    %add3A_13 = arith.addi %iota3A, %add3A_12 : vector<16xi32>
    %add3A_14 = vector.broadcast %sub3A : i32 to vector<16xi32>
    %add3A_15 = arith.addi %add3A_14, %add3A_13 : vector<16xi32>
    %add3A_16 = arith.constant 1 : i32
    %add3A_17 = vector.broadcast %add3A_16 : i32 to vector<16xi32>
    %add3A_18 = arith.addi %add3A_15, %add3A_17 : vector<16xi32>
    %min3A_19 = arith.constant 143 : i32
    %min3A_20 = vector.broadcast %min3A_19 : i32 to vector<16xi32>
    %min3A_21 = arith.minsi %add3A_18, %min3A_20 : vector<16xi32>
    %gather3A = tpu.vector_load_idx %arg4[%min3A_21] : memref<144xi32, #tpu.memory_space<vmem>>[vector<16xi32>], vector<16xi32>,
    %add3A_22 = vector.broadcast %mul3A_0 : i32 to vector<16xi32>
    %add3A_23 = arith.addi %add3A_22, %add3A_13 : vector<16xi32>
    %lt3A = arith.constant 2047 : i32
    %lt3A_24 = vector.broadcast %lt3A : i32 to vector<16xi32>
    %lt3A_25 = arith.cmpi slt, %add3A_23, %lt3A_24 : vector<16xi32>
    tpu.vector_store_idx %arg5[%add3A_13, %gather3A], %broadcast_in_dim3A_11 masked %lt3A_25 : memref<128x70xf32, #tpu.memory_space<vmem>>[vector<16xi32>, vector<16xi32>], vector<16xf32>, vector<16xi1>
    %add3A_26 = arith.constant 16 : i32
    %add3A_27 = vector.broadcast %add3A_26 : i32 to vector<16xi32>
    %add3A_28 = arith.addi %iota3A, %add3A_27 : vector<16xi32>
    %add3A_29 = vector.broadcast %sub3A : i32 to vector<16xi32>
    %add3A_30 = arith.addi %add3A_29, %add3A_28 : vector<16xi32>
    %add3A_31 = arith.constant 1 : i32
    %add3A_32 = vector.broadcast %add3A_31 : i32 to vector<16xi32>
    %add3A_33 = arith.addi %add3A_30, %add3A_32 : vector<16xi32>
    %min3A_34 = arith.constant 143 : i32
    %min3A_35 = vector.broadcast %min3A_34 : i32 to vector<16xi32>
    %min3A_36 = arith.minsi %add3A_33, %min3A_35 : vector<16xi32>
    %gather3A_37 = tpu.vector_load_idx %arg4[%min3A_36] : memref<144xi32, #tpu.memory_space<vmem>>[vector<16xi32>], vector<16xi32>,
    %add3A_38 = vector.broadcast %mul3A_0 : i32 to vector<16xi32>
    %add3A_39 = arith.addi %add3A_38, %add3A_28 : vector<16xi32>
    %lt3A_40 = arith.constant 2047 : i32
    %lt3A_41 = vector.broadcast %lt3A_40 : i32 to vector<16xi32>
    %lt3A_42 = arith.cmpi slt, %add3A_39, %lt3A_41 : vector<16xi32>
    tpu.vector_store_idx %arg5[%add3A_28, %gather3A_37], %broadcast_in_dim3A_11 masked %lt3A_42 : memref<128x70xf32, #tpu.memory_space<vmem>>[vector<16xi32>, vector<16xi32>], vector<16xf32>, vector<16xi1>
    %add3A_43 = arith.constant 32 : i32
    %add3A_44 = vector.broadcast %add3A_43 : i32 to vector<16xi32>
    %add3A_45 = arith.addi %iota3A, %add3A_44 : vector<16xi32>
    %add3A_46 = vector.broadcast %sub3A : i32 to vector<16xi32>
    %add3A_47 = arith.addi %add3A_46, %add3A_45 : vector<16xi32>
    %add3A_48 = arith.constant 1 : i32
    %add3A_49 = vector.broadcast %add3A_48 : i32 to vector<16xi32>
    %add3A_50 = arith.addi %add3A_47, %add3A_49 : vector<16xi32>
    %min3A_51 = arith.constant 143 : i32
    %min3A_52 = vector.broadcast %min3A_51 : i32 to vector<16xi32>
    %min3A_53 = arith.minsi %add3A_50, %min3A_52 : vector<16xi32>
    %gather3A_54 = tpu.vector_load_idx %arg4[%min3A_53] : memref<144xi32, #tpu.memory_space<vmem>>[vector<16xi32>], vector<16xi32>,
    %add3A_55 = vector.broadcast %mul3A_0 : i32 to vector<16xi32>
    %add3A_56 = arith.addi %add3A_55, %add3A_45 : vector<16xi32>
    %lt3A_57 = arith.constant 2047 : i32
    %lt3A_58 = vector.broadcast %lt3A_57 : i32 to vector<16xi32>
    %lt3A_59 = arith.cmpi slt, %add3A_56, %lt3A_58 : vector<16xi32>
    tpu.vector_store_idx %arg5[%add3A_45, %gather3A_54], %broadcast_in_dim3A_11 masked %lt3A_59 : memref<128x70xf32, #tpu.memory_space<vmem>>[vector<16xi32>, vector<16xi32>], vector<16xf32>, vector<16xi1>
    %add3A_60 = arith.constant 48 : i32
    %add3A_61 = vector.broadcast %add3A_60 : i32 to vector<16xi32>
    %add3A_62 = arith.addi %iota3A, %add3A_61 : vector<16xi32>
    %add3A_63 = vector.broadcast %sub3A : i32 to vector<16xi32>
    %add3A_64 = arith.addi %add3A_63, %add3A_62 : vector<16xi32>
    %add3A_65 = arith.constant 1 : i32
    %add3A_66 = vector.broadcast %add3A_65 : i32 to vector<16xi32>
    %add3A_67 = arith.addi %add3A_64, %add3A_66 : vector<16xi32>
    %min3A_68 = arith.constant 143 : i32
    %min3A_69 = vector.broadcast %min3A_68 : i32 to vector<16xi32>
    %min3A_70 = arith.minsi %add3A_67, %min3A_69 : vector<16xi32>
    %gather3A_71 = tpu.vector_load_idx %arg4[%min3A_70] : memref<144xi32, #tpu.memory_space<vmem>>[vector<16xi32>], vector<16xi32>,
    %add3A_72 = vector.broadcast %mul3A_0 : i32 to vector<16xi32>
    %add3A_73 = arith.addi %add3A_72, %add3A_62 : vector<16xi32>
    %lt3A_74 = arith.constant 2047 : i32
    %lt3A_75 = vector.broadcast %lt3A_74 : i32 to vector<16xi32>
    %lt3A_76 = arith.cmpi slt, %add3A_73, %lt3A_75 : vector<16xi32>
    tpu.vector_store_idx %arg5[%add3A_62, %gather3A_71], %broadcast_in_dim3A_11 masked %lt3A_76 : memref<128x70xf32, #tpu.memory_space<vmem>>[vector<16xi32>, vector<16xi32>], vector<16xf32>, vector<16xi1>
    %add3A_77 = arith.constant 64 : i32
    %add3A_78 = vector.broadcast %add3A_77 : i32 to vector<16xi32>
    %add3A_79 = arith.addi %iota3A, %add3A_78 : vector<16xi32>
    %add3A_80 = vector.broadcast %sub3A : i32 to vector<16xi32>
    %add3A_81 = arith.addi %add3A_80, %add3A_79 : vector<16xi32>
    %add3A_82 = arith.constant 1 : i32
    %add3A_83 = vector.broadcast %add3A_82 : i32 to vector<16xi32>
    %add3A_84 = arith.addi %add3A_81, %add3A_83 : vector<16xi32>
    %min3A_85 = arith.constant 143 : i32
    %min3A_86 = vector.broadcast %min3A_85 : i32 to vector<16xi32>
    %min3A_87 = arith.minsi %add3A_84, %min3A_86 : vector<16xi32>
    %gather3A_88 = tpu.vector_load_idx %arg4[%min3A_87] : memref<144xi32, #tpu.memory_space<vmem>>[vector<16xi32>], vector<16xi32>,
    %add3A_89 = vector.broadcast %mul3A_0 : i32 to vector<16xi32>
    %add3A_90 = arith.addi %add3A_89, %add3A_79 : vector<16xi32>
    %lt3A_91 = arith.constant 2047 : i32
    %lt3A_92 = vector.broadcast %lt3A_91 : i32 to vector<16xi32>
    %lt3A_93 = arith.cmpi slt, %add3A_90, %lt3A_92 : vector<16xi32>
    tpu.vector_store_idx %arg5[%add3A_79, %gather3A_88], %broadcast_in_dim3A_11 masked %lt3A_93 : memref<128x70xf32, #tpu.memory_space<vmem>>[vector<16xi32>, vector<16xi32>], vector<16xf32>, vector<16xi1>
    %add3A_94 = arith.constant 80 : i32
    %add3A_95 = vector.broadcast %add3A_94 : i32 to vector<16xi32>
    %add3A_96 = arith.addi %iota3A, %add3A_95 : vector<16xi32>
    %add3A_97 = vector.broadcast %sub3A : i32 to vector<16xi32>
    %add3A_98 = arith.addi %add3A_97, %add3A_96 : vector<16xi32>
    %add3A_99 = arith.constant 1 : i32
    %add3A_100 = vector.broadcast %add3A_99 : i32 to vector<16xi32>
    %add3A_101 = arith.addi %add3A_98, %add3A_100 : vector<16xi32>
    %min3A_102 = arith.constant 143 : i32
    %min3A_103 = vector.broadcast %min3A_102 : i32 to vector<16xi32>
    %min3A_104 = arith.minsi %add3A_101, %min3A_103 : vector<16xi32>
    %gather3A_105 = tpu.vector_load_idx %arg4[%min3A_104] : memref<144xi32, #tpu.memory_space<vmem>>[vector<16xi32>], vector<16xi32>,
    %add3A_106 = vector.broadcast %mul3A_0 : i32 to vector<16xi32>
    %add3A_107 = arith.addi %add3A_106, %add3A_96 : vector<16xi32>
    %lt3A_108 = arith.constant 2047 : i32
    %lt3A_109 = vector.broadcast %lt3A_108 : i32 to vector<16xi32>
    %lt3A_110 = arith.cmpi slt, %add3A_107, %lt3A_109 : vector<16xi32>
    tpu.vector_store_idx %arg5[%add3A_96, %gather3A_105], %broadcast_in_dim3A_11 masked %lt3A_110 : memref<128x70xf32, #tpu.memory_space<vmem>>[vector<16xi32>, vector<16xi32>], vector<16xf32>, vector<16xi1>
    %add3A_111 = arith.constant 96 : i32
    %add3A_112 = vector.broadcast %add3A_111 : i32 to vector<16xi32>
    %add3A_113 = arith.addi %iota3A, %add3A_112 : vector<16xi32>
    %add3A_114 = vector.broadcast %sub3A : i32 to vector<16xi32>
    %add3A_115 = arith.addi %add3A_114, %add3A_113 : vector<16xi32>
    %add3A_116 = arith.constant 1 : i32
    %add3A_117 = vector.broadcast %add3A_116 : i32 to vector<16xi32>
    %add3A_118 = arith.addi %add3A_115, %add3A_117 : vector<16xi32>
    %min3A_119 = arith.constant 143 : i32
    %min3A_120 = vector.broadcast %min3A_119 : i32 to vector<16xi32>
    %min3A_121 = arith.minsi %add3A_118, %min3A_120 : vector<16xi32>
    %gather3A_122 = tpu.vector_load_idx %arg4[%min3A_121] : memref<144xi32, #tpu.memory_space<vmem>>[vector<16xi32>], vector<16xi32>,
    %add3A_123 = vector.broadcast %mul3A_0 : i32 to vector<16xi32>
    %add3A_124 = arith.addi %add3A_123, %add3A_113 : vector<16xi32>
    %lt3A_125 = arith.constant 2047 : i32
    %lt3A_126 = vector.broadcast %lt3A_125 : i32 to vector<16xi32>
    %lt3A_127 = arith.cmpi slt, %add3A_124, %lt3A_126 : vector<16xi32>
    tpu.vector_store_idx %arg5[%add3A_113, %gather3A_122], %broadcast_in_dim3A_11 masked %lt3A_127 : memref<128x70xf32, #tpu.memory_space<vmem>>[vector<16xi32>, vector<16xi32>], vector<16xf32>, vector<16xi1>
    %add3A_128 = arith.constant 112 : i32
    %add3A_129 = vector.broadcast %add3A_128 : i32 to vector<16xi32>
    %add3A_130 = arith.addi %iota3A, %add3A_129 : vector<16xi32>
    %add3A_131 = vector.broadcast %sub3A : i32 to vector<16xi32>
    %add3A_132 = arith.addi %add3A_131, %add3A_130 : vector<16xi32>
    %add3A_133 = arith.constant 1 : i32
    %add3A_134 = vector.broadcast %add3A_133 : i32 to vector<16xi32>
    %add3A_135 = arith.addi %add3A_132, %add3A_134 : vector<16xi32>
    %min3A_136 = arith.constant 143 : i32
    %min3A_137 = vector.broadcast %min3A_136 : i32 to vector<16xi32>
    %min3A_138 = arith.minsi %add3A_135, %min3A_137 : vector<16xi32>
    %gather3A_139 = tpu.vector_load_idx %arg4[%min3A_138] : memref<144xi32, #tpu.memory_space<vmem>>[vector<16xi32>], vector<16xi32>,
    %add3A_140 = vector.broadcast %mul3A_0 : i32 to vector<16xi32>
    %add3A_141 = arith.addi %add3A_140, %add3A_130 : vector<16xi32>
    %lt3A_142 = arith.constant 2047 : i32
    %lt3A_143 = vector.broadcast %lt3A_142 : i32 to vector<16xi32>
    %lt3A_144 = arith.cmpi slt, %add3A_141, %lt3A_143 : vector<16xi32>
    tpu.vector_store_idx %arg5[%add3A_130, %gather3A_139], %broadcast_in_dim3A_11 masked %lt3A_144 : memref<128x70xf32, #tpu.memory_space<vmem>>[vector<16xi32>, vector<16xi32>], vector<16xf32>, vector<16xi1>
    "tpu.region"() ({
      %run_scoped3A = tpu.sem_alloc : memref<!tpu.dma_semaphore, #tpu.memory_space<semaphore_mem>>
      %dma_start3A_145 = arith.constant 0 : i32
      %dma_start3A_146 = tpu.memref_slice %arg3[%mul3A_0, %dma_start3A_145] : memref<2048x70xf32, #tpu.memory_space<hbm>> -> memref<128x70xf32, #tpu.memory_space<hbm>>
      %dma_start3A_147 = arith.constant 0 : i32
      %dma_start3A_148 = tpu.memref_slice %arg3[%mul3A_0, %dma_start3A_147] : memref<2048x70xf32, #tpu.memory_space<hbm>> -> memref<128x70xf32, #tpu.memory_space<hbm>>
      tpu.enqueue_dma source(%arg5 : memref<128x70xf32, #tpu.memory_space<vmem>>) target(%dma_start3A_148 : memref<128x70xf32, #tpu.memory_space<hbm>>) target_semaphore(%run_scoped3A : memref<!tpu.dma_semaphore, #tpu.memory_space<semaphore_mem>>)
      %dma_wait3A_149 = arith.constant 0 : i32
      %dma_wait3A_150 = tpu.memref_slice %arg3[%mul3A_0, %dma_wait3A_149] : memref<2048x70xf32, #tpu.memory_space<hbm>> -> memref<128x70xf32, #tpu.memory_space<hbm>>
      %dma_wait3A_151 = arith.constant 0 : i32
      %dma_wait3A_152 = tpu.memref_slice %arg3[%mul3A_0, %dma_wait3A_151] : memref<2048x70xf32, #tpu.memory_space<hbm>> -> memref<128x70xf32, #tpu.memory_space<hbm>>
      tpu.wait_dma2 semaphore(%run_scoped3A : memref<!tpu.dma_semaphore, #tpu.memory_space<semaphore_mem>>) src(%arg5 : memref<128x70xf32, #tpu.memory_space<vmem>>) dst(%dma_wait3A_152 : memref<128x70xf32, #tpu.memory_space<hbm>>)
      tpu.yield
    }) : () -> ()
    return
  }
}

</mosaic_0001>

<sc_bundles>
// kernel: kernel.3.cloned.1.call-start
scs
__scs_entry_jumppad:
0x0: {  	(pc) =	sbr.rel $0x88, $3  }
0x1: {  	(tag) =	ssettag $0x0;
	lr =	simm.s32 $0x1  }
0x2: {  	[smem:$0x3FA0] =	sst lr;
	_ =	strace $0xD0000000  }
0x3: {  	_ = 	snop  }
0x4: {  	_ = 	snop  }
0x5: {  	_ = 	snop  }
0x6: {  	_ = 	snop  }
0x7: {  	_ = 	snop  }
__scs_overlays_trampoline_lowered:
0x8: {  	[smem:$0x3FAF] =	sst s0  }
0x9: {  	[smem:$0x3FB0] =	sst s1  }
0xa: {  	[smem:$0x3FB1] =	sst s2  }
0xb: {  	[smem:$0x3FB2] =	sst s3  }
0xc: {  	[smem:$0x3FB3] =	sst s4  }
0xd: {  	[smem:$0x3FB4] =	sst s5  }
0xe: {  	[smem:$0x3FB5] =	sst s6  }
0xf: {  	[smem:$0x3FB6] =	sst s7  }
0x10: {  	[smem:$0x3FB7] =	sst s8  }
0x11: {  	[smem:$0x3FB8] =	sst s9;
	s0 =	simm.s32 @!p0 $0x0  }
0x12: {  	s1 =	sld [smem:$0x3F9E];
	s0 =	simm.s32 @p0 $0x1  }
0x13: {  	[smem:$0x3FB9] =	sst s0;
	s0 =	simm.s32 @!p1 $0x0  }
0x14: {  	s2 =	sld [smem:$0x3F9D];
	s0 =	simm.s32 @p1 $0x1  }
0x15: {  	[smem:$0x3FBA] =	sst s0;
	s0 =	simm.s32 @!p2 $0x0  }
0x16: {  	s3 =	sld [smem:$0x3FDB];
	s0 =	simm.s32 @p2 $0x1  }
0x17: {  	s4 =	simm.s32 $0x1BF5;
	[smem:$0x3FBC] =	sst s0  }
0x18: {  	s0 =	sld [smem:$0x3F9F];
	_ =	swait.ge [sflag:s4], $0x0  }
0x19: {  	s7 =	sld [smem:$0x3FA0]  }
0x1a: {  	s8 =	sadd.s32 $0xFFFFE003, lr  }
0x1b: {  	s9 =	sadd.s32 $0xFFFFFEF7, lr;
	s5 =	simm.s32 $0xFFFFFFFF;
	p2 =	slt.u32 s8, $0xFFFFF086  }
0x1c: {  	p1 =	slt.u32 s9, $0xF7A;
	s5 =	simm.s32 @!p2 $0x0  }
0x1d: {  	s5 =	simm.s32 @p1 $0x1;
	p0 =	seq.s32 s7, s2  }
0x1e: {  	s7 =	smul.u32 @!p0 $0xF7A, s2;
	p2 =	seq.s32 @!p0 s5, $0x0  }
0x1f: {  	s9 =	smul.u32 $0xF7A, s1;
	s8 =	simm.s32 @!p0 $0x1BF5;
	p2 =	por !p2, p0  }
0x20: {  	[sflag:s8] =	ssyncset.s32 @!p0 $0xFFFFF086;
	s6 =	sadd.s32 @!p0 s3, s7;
	s7 =	simm.s32 @!p0 $0x108  }
0x21: {  	s3 =	sadd.s32 s3, s9;
	s6 =	sadd.s32 @!p0 $0x88, s6;
	s7 =	simm.s32 @p2 $0x1082  }
0x22: {  	[simem:s7], [sflag:s8] =	dma.local @!p0 [hbm:s6], $0xF7A  }
0x23: {  	s9 =	sor.u32 $0xD0000000, s2;
	s6 =	simm.s32 $0x108;
	_ =	swait.ge @!p0 [sflag:s8], $0x0  }
0x24: {  	s3 =	sadd.s32 $0x88, s3;
	s6 =	simm.s32 @!p1 $0x1082;
	[sflag:s4] =	ssyncset.s32 $0xFFFFF086  }
0x25: {  	[simem:s6], [sflag:s4] =	dma.local [hbm:s3], $0xF7A  }
0x26: {  	[smem:$0x3FA0] =	sst s1;
	(tag) =	ssettag s2;
	_ =	strace s9  }
0x27: {  	s1 =	sld [smem:$0x3FB0]  }
0x28: {  	s2 =	sld [smem:$0x3FB1]  }
0x29: {  	s4 =	sld [smem:$0x3FB3]  }
0x2a: {  	p0 =	seq.s32 s5, $0x0;
	s5 =	sld [smem:$0x3FB4]  }
0x2b: {  	s6 =	sld [smem:$0x3FB5]  }
0x2c: {  	s7 =	sld [smem:$0x3FB6]  }
0x2d: {  	s3 =	simm.s32 $0x108;
	s8 =	sld [smem:$0x3FB7]  }
0x2e: {  	s3 =	simm.s32 @!p0 $0x1082;
	s9 =	sld [smem:$0x3FB8]  }
0x2f: {  	lr =	sadd.s32 s0, s3;
	s0 =	sld [smem:$0x3FAF]  }
0x30: {  	s3 =	sld [smem:$0x3FB2]  }
0x31: {  	[smem:$0x3FBB] =	sst s10  }
0x32: {  	s10 =	sld [smem:$0x3FB9];
	_ =	sdelay $0x3  }
0x33: {  	p0 =	seq.s32 s10, $0x1;
	s10 =	sld [smem:$0x3FBB];
	_ =	sdelay $0x3  }
0x34: {  	[smem:$0x3FBB] =	sst s10  }
0x35: {  	s10 =	sld [smem:$0x3FBA];
	_ =	sdelay $0x3  }
0x36: {  	p1 =	seq.s32 s10, $0x1;
	s10 =	sld [smem:$0x3FBB];
	_ =	sdelay $0x3  }
0x37: {  	[smem:$0x3FBB] =	sst s10  }
0x38: {  	s10 =	sld [smem:$0x3FBC]  }
0x39: {  	_ = 	snop;
	(pc) =	sbr.ind lr, $3  }
0x3a: {  	_ = 	snop  }
0x3b: {  	_ = 	snop  }
0x3c: {  	p2 =	seq.s32 s10, $0x1;
	s10 =	sld [smem:$0x3FBB]  }
0x3d: {  	_ =	shalt  }
0x3e: {  	_ =	shalt  }
0x3f: {  	_ =	shalt  }
0x40: {  	_ =	shalt  }
0x41: {  	_ =	shalt  }
0x42: {  	_ =	shalt  }
0x43: {  	_ =	shalt  }
0x44: {  	_ =	shalt  }
0x45: {  	_ =	shalt  }
0x46: {  	_ =	shalt  }
0x47: {  	_ =	shalt  }
0x48: {  	_ =	shalt  }
0x49: {  	_ =	shalt  }
0x4a: {  	_ =	shalt  }
0x4b: {  	_ =	shalt  }
0x4c: {  	_ =	shalt  }
0x4d: {  	_ =	shalt  }
0x4e: {  	_ =	shalt  }
0x4f: {  	_ =	shalt  }
0x50: {  	_ =	shalt  }
0x51: {  	_ =	shalt  }
0x52: {  	_ =	shalt  }
0x53: {  	_ =	shalt  }
0x54: {  	_ =	shalt  }
0x55: {  	_ =	shalt  }
0x56: {  	_ =	shalt  }
0x57: {  	_ =	shalt  }
0x58: {  	_ =	shalt  }
0x59: {  	_ =	shalt  }
0x5a: {  	_ =	shalt  }
0x5b: {  	_ =	shalt  }
0x5c: {  	_ =	shalt  }
0x5d: {  	_ =	shalt  }
0x5e: {  	_ =	shalt  }
0x5f: {  	_ =	shalt  }
0x60: {  	_ =	shalt  }
0x61: {  	_ =	shalt  }
0x62: {  	_ =	shalt  }
0x63: {  	_ =	shalt  }
0x64: {  	_ =	shalt  }
0x65: {  	_ =	shalt  }
0x66: {  	_ =	shalt  }
0x67: {  	_ =	shalt  }
0x68: {  	_ =	shalt  }
0x69: {  	_ =	shalt  }
0x6a: {  	_ =	shalt  }
0x6b: {  	_ =	shalt  }
0x6c: {  	_ =	shalt  }
0x6d: {  	_ =	shalt  }
0x6e: {  	_ =	shalt  }
0x6f: {  	_ =	shalt  }
0x70: {  	_ =	shalt  }
0x71: {  	_ =	shalt  }
0x72: {  	_ =	shalt  }
0x73: {  	_ =	shalt  }
0x74: {  	_ =	shalt  }
0x75: {  	_ =	shalt  }
0x76: {  	_ =	shalt  }
0x77: {  	_ =	shalt  }
0x78: {  	_ =	shalt  }
0x79: {  	_ =	shalt  }
0x7a: {  	_ =	shalt  }
0x7b: {  	_ =	shalt  }
0x7c: {  	_ =	shalt  }
0x7d: {  	_ =	shalt  }
0x7e: {  	_ =	shalt  }
0x7f: {  	_ =	shalt  }
0x80: {  	_ =	shalt  }
0x81: {  	_ =	shalt  }
0x82: {  	_ =	shalt  }
0x83: {  	_ =	shalt  }
0x84: {  	_ =	shalt  }
0x85: {  	_ =	shalt  }
0x86: {  	_ =	shalt  }
0x87: {  	_ =	shalt  }
.Lfunc_end0:
.L_simem_size_0:
called_computation_lowered:
.L_overlay_start_0:
0x88: {  	s0 =	sld [smem:$0x3FD9]  }
0x89: {  	s1 =	sld [smem:$0x3FFE];
	_ =	sdelay $0x3  }
0x8a: {  	s0 =	sadd.s32 s1, s0  }
0x8b: {  	[smem:$0x3FC7] =	sst s0  }
0x8c: {  	_ = 	snop  }
0x8d: {  	s0 =	sld [smem:$0x3FC9];
	(tm) =	ssettm $0x1  }
0x8e: {  	s16 =	sld [smem:$0x3FFB];
	_ =	sdelay $0x3  }
0x8f: {  	_ =	strace s16  }
0x90: {  	s1 =	sld [smem:$0x3FFC];
	_ =	sdelay $0x3  }
0x91: {  	_ =	strace s1  }
0x92: {  	s1 =	sld [smem:$0x3FFD];
	_ =	sdelay $0x3  }
0x93: {  	_ =	strace s1  }
0x94: {  	_ =	strace $0x8FFFFFFF  }
0x95: {  	s17 =	sld [smem:$0x3FDB];
	_ =	sdelay $0x1  }
0x96: {  	s2 =	simm.s32 $_scs_section_size  }
0x97: {  	s3 =	simm.s32 $_size__tile_overlayer_lowered;
	s4 =	simm.s32 $_tile_overlayer_lowered  }
0x98: {  	s20 =	simm.s32 $0x1BFF;
	s19 =	sshll.u32 s4, $0x1;
	s1 =	sadd.s32 s2, s17  }
0x99: {  	s5 =	simm.s32 $0x0;
	s18 =	sshll.u32 s3, $0x1;
	s3 =	sadd.s32 s19, s1  }
0x9a: {  	[timem:s5], [sflag:s20] =	dma.local [hbm:s3], s18  }
0x9b: {  	_ =	swait.ge [sflag:s20], s18  }
0x9c: {  	s2 =	ssub.s32 $0x0, s18;
	[sflag:s20] =	ssyncset.done $0x0  }
0x9d: {  	[sflag:s20] =	ssyncadd.s32 s2;
	_ =	sdelay $0x1  }
0x9e: {  	s21 =	simm.s32 $0x1B8B  }
0x9f: {  	_ =	swait.ge [sflag:s21], $0x1  }
0xa0: {  	[sflag:s21] =	ssyncset.done $0x0  }
0xa1: {  	s23 =	simm.s32 $0x1B8E;
	s22 =	sld [smem:$0x3FFE];
	[sflag:s21] =	ssyncadd.s32 $0xFFFFFFFF  }
0xa2: {  	s24 =	simm.s32 $execute0_lowered;
	[smem:$0x3FD2] =	sst s23  }
0xa3: {  	s3 =	sshll.u32 s24, $0x1;
	_ =	strace $0x80000046;
	[dreg:$0x1] =	wrdreg $0xFFFFFFFF  }
0xa4: {  	s25 =	simm.s32 $_size_execute0_lowered;
	s1 =	sadd.s32 s1, s3;
	[dreg:$0x0] =	wrdreg $0x0  }
0xa5: {  	s3 =	sshll.u32 s25, $0x1;
	[dreg:$0x2] =	wrdreg s1  }
0xa6: {  	[dreg:$0x3] =	wrdreg s3  }
0xa7: {  	[dreg:$0x4] =	wrdreg $0xC0  }
0xa8: {  	_ =	task [dreg:s5], $0x5FFFF  }
0xa9: {  	[dreg:$0x1] =	wrdreg $0xFFFFFFFF  }
0xaa: {  	[dreg:$0x0] =	wrdreg $0x60  }
0xab: {  	[dreg:$0x2] =	wrdreg s0  }
0xac: {  	[dreg:$0x3] =	wrdreg s22  }
0xad: {  	[dreg:$0x4] =	wrdreg $0x9  }
0xae: {  	_ =	task.clear_ibuf [dreg:s5], $0x5FFFF;
	_ =	strace $0x90000046  }
0xaf: {  	s26 =	simm.s32 $0x9;
	_ =	strace $0x80000048  }
0xb0: {  	_ =	swait.ge [sflag:s26], $0x1  }
0xb1: {  	[sflag:s26] =	ssyncadd.s32 $0xFFFFFFFF  }
0xb2: {  	_ =	strace $0x90000048  }
0xb3: {  	_ =	sfence  }
0xb4: {  	s28 =	sld [smem:$0x0];
	_ =	sdelay $0x1  }
0xb5: {  	s29 =	srdreg.scid  }
0xb6: {  	s30 =	sshll.u32 s29, $0xD;
	s31 =	sshrl.u32 s29, $0x2  }
0xb7: {  	s2 =	sand.u32 $0x4000, s30;
	s1 =	sand.u32 $0x1, s29;
	s0 =	sadd.s32 s31, s28  }
0xb8: {  	s1 =	sor.u32 s2, s1;
	s0 =	sshll.u32 s0, $0x11  }
0xb9: {  	s0 =	sor.u32 s0, s1  }
0xba: {  	s0 =	sadd.s32 $0x8F2B, s0  }
0xbb: {  	[sflag:s0] =	ssyncadd.remote.s32 $0x1  }
0xbc: {  	_ =	sfence.sel $0xFFFF  }
0xbd: {  	[dreg:$0x0] =	wrdreg $0xFFFFFFFF;
	(pc) =	sbr.abs _section_cstart, $3  }
0xbe: {  	[dreg:$0x1] =	wrdreg $0xFFFFFFFF  }
0xbf: {  	_ =	task.clear_ibuf [dreg:s5], $0x2FFFF;
	_ =	strace $0x9FFFFFFF  }
0xc0: {  	(tm) =	ssettm $0x7FFFFFFF  }
0xc1: {  	_ =	shalt  }
tec
execute0_lowered:
.L_overlay_start_1:
0x0: {  	(tag) =	ssettag $0x1  }
0x1: {  	s0 =	stileid.u32  }
0x2: {  	s3 =	rddreg [dreg:$0x0];
	s2 =	sshll.u32 s0, $0x7  }
0x3: {  	s5 =	rddreg [dreg:$0x1];
	s6 =	simm.s32 $0x0;
	s4 =	smin.u32 s2, $0x770  }
0x4: {  	[smem:$0x7FF] =	sst s6;
	s7 =	sshrl.u32 s4, $0x3  }
0x5: {  	s1 =	rddreg [dreg:$0x2];
	_ =	strace $0x80000047;
	s3 =	sadd.s32 s3, s7  }
0x6: {  	[tilespmem:s6], [sflag:$0x1] =	stream.linear.gather [hbm4b:s3+s6], $0x90, $0x38;
	[tilespmem:$0x4100] =	vst v63  }
0x7: {  	v0 =	vimm.f32 $0.0e+00;
	s6 =	simm.s32 $0x0  }
0x8: {  	[tilespmem:s6+$0x130] =	vst v0  }
0x9: {  	[tilespmem:s6+$0x1B0] =	vst v0  }
0xa: {  	s3 =	sadd.s32 $0x400, s5;
	s5 =	simm.s32 $0x400;
	[tilespmem:s6+$0x136] =	vst v0  }
.LBB2_1:
0xb: {  	p0 =	sne.s32 s5, $0xFC00;
	[tilespmem:s6+$0x1B6] =	vst v0  }
0xc: {  	[tilespmem:s6+$0x100] =	vst v0  }
0xd: {  	[tilespmem:s6+$0x110] =	vst v0  }
0xe: {  	[tilespmem:s6+$0x120] =	vst v0  }
0xf: {  	[tilespmem:s6+$0x180] =	vst v0  }
.Ltmp0:
0x10: {  	[tilespmem:s6+$0x190] =	vst v0;
	(pc) =	sbr.rel @p0 .LBB2_1-.Ltmp0, $4  }
0x11: {  	[tilespmem:s6+$0x1A0] =	vst v0;
	s6 =	sshra.s32 s5, $0x2  }
0x12: {  	[tilespmem:s6+$0x130] =	vst v0  }
0x13: {  	[tilespmem:s6+$0x136] =	vst v0  }
0x14: {  	s5 =	sadd.s32 $0x400, s5;
	[tilespmem:s6+$0x1B0] =	vst v0  }
0x15: {  	[tilespmem:s6+$0x1B6] =	vst v0  }
0x16: {  	[tilespmem:s6+$0x100] =	vst v0;
	v1 =	vlaneseq.u32  }
0x17: {  	[tilespmem:s6+$0x110] =	vst v0;
	s5 =	ssub.s32 s2, s4;
	v2 =	vadd.s32 $0x1, v1  }
0x18: {  	[tilespmem:s6+$0x120] =	vst v0;
	v2 =	vadd.s32 s5, v2  }
0x19: {  	[tilespmem:s6+$0x180] =	vst v0;
	vm0 =	vlt.s32 v2, $0x8F  }
0x1a: {  	[tilespmem:s6+$0x190] =	vst v0;
	v2 =	vnsel vm0, $0x8F, v2  }
0x1b: {  	[tilespmem:s6+$0x1A0] =	vst v0;
	s26 =	simm.s32 $0x1  }
0x1c: {  	_ =	swait.ge [sflag:s26], $0x90  }
0x1d: {  	[sflag:s26] =	ssyncset.done $0x0  }
0x1e: {  	s28 =	simm.s32 $0x0;
	[sflag:s26] =	ssyncadd.s32 $0xFFFFFF70  }
0x1f: {  	v49 =	vld.idx.msk [tilespmem:v2+s28+$0x0], $0xffff;
	_ =	sdelay $0x2  }
0x20: {  	v50 =	vadd.s32 $0x11, v1;
	v3 =	vmul.u32 $0x80, v1  }
0x21: {  	v2 =	vadd.s32 s5, v50  }
0x22: {  	vm8 =	vlt.s32 v2, $0x8F;
	v0 =	vadd.s32 v3, v49  }
0x23: {  	v2 =	vnsel vm8, $0x8F, v2;
	_ =	sdelay $0x2  }
0x24: {  	v4 =	vimm.f32 $1.000000000e+00;
	s29 =	simm.s32 $0x100  }
0x25: {  	[tilespmem:v0+s29+$0x0] =	vst.idx.msk $0xffff, v4  }
0x26: {  	v0 =	vld.idx.msk [tilespmem:v2+s28+$0x0], $0xffff;
	_ =	sdelay $0x2  }
0x27: {  	v51 =	vadd.s32 $0x21, v1  }
0x28: {  	v5 =	vor.u32 $0x800, v3;
	v2 =	vadd.s32 s5, v51  }
0x29: {  	vm9 =	vlt.s32 v2, $0x8F;
	v0 =	vadd.s32 v5, v0  }
0x2a: {  	v2 =	vnsel vm9, $0x8F, v2;
	_ =	sdelay $0x3  }
0x2b: {  	[tilespmem:v0+s29+$0x0] =	vst.idx.msk $0xffff, v4  }
0x2c: {  	v0 =	vld.idx.msk [tilespmem:v2+s28+$0x0], $0xffff;
	_ =	sdelay $0x2  }
0x2d: {  	v52 =	vadd.s32 $0x31, v1  }
0x2e: {  	v53 =	vor.u32 $0x1000, v3;
	v2 =	vadd.s32 s5, v52  }
0x2f: {  	vm10 =	vlt.s32 v2, $0x8F;
	v0 =	vadd.s32 v53, v0  }
0x30: {  	v2 =	vnsel vm10, $0x8F, v2;
	_ =	sdelay $0x3  }
0x31: {  	[tilespmem:v0+s29+$0x0] =	vst.idx.msk $0xffff, v4  }
0x32: {  	v0 =	vld.idx.msk [tilespmem:v2+s28+$0x0], $0xffff;
	_ =	sdelay $0x2  }
0x33: {  	v54 =	vadd.s32 $0x41, v1  }
0x34: {  	v55 =	vor.u32 $0x1800, v3;
	v2 =	vadd.s32 s5, v54  }
0x35: {  	vm11 =	vlt.s32 v2, $0x8F;
	v0 =	vadd.s32 v55, v0  }
0x36: {  	v2 =	vnsel vm11, $0x8F, v2;
	_ =	sdelay $0x3  }
0x37: {  	[tilespmem:v0+s29+$0x0] =	vst.idx.msk $0xffff, v4  }
0x38: {  	v0 =	vld.idx.msk [tilespmem:v2+s28+$0x0], $0xffff;
	_ =	sdelay $0x2  }
0x39: {  	v56 =	vadd.s32 $0x51, v1  }
0x3a: {  	v57 =	vor.u32 $0x2000, v3;
	v2 =	vadd.s32 s5, v56  }
0x3b: {  	vm12 =	vlt.s32 v2, $0x8F;
	v0 =	vadd.s32 v57, v0  }
0x3c: {  	v2 =	vnsel vm12, $0x8F, v2;
	_ =	sdelay $0x3  }
0x3d: {  	[tilespmem:v0+s29+$0x0] =	vst.idx.msk $0xffff, v4  }
0x3e: {  	v0 =	vld.idx.msk [tilespmem:v2+s28+$0x0], $0xffff;
	_ =	sdelay $0x2  }
0x3f: {  	v58 =	vadd.s32 $0x61, v1  }
0x40: {  	v59 =	vor.u32 $0x2800, v3;
	v2 =	vadd.s32 s5, v58  }
0x41: {  	vm13 =	vlt.s32 v2, $0x8F;
	v0 =	vadd.s32 v59, v0  }
0x42: {  	v2 =	vnsel vm13, $0x8F, v2;
	_ =	sdelay $0x3  }
0x43: {  	[tilespmem:v0+s29+$0x0] =	vst.idx.msk $0xffff, v4  }
0x44: {  	v0 =	vld.idx.msk [tilespmem:v2+s28+$0x0], $0xffff;
	_ =	sdelay $0x2  }
0x45: {  	v60 =	vadd.s32 $0x71, v1  }
0x46: {  	v61 =	vor.u32 $0x3000, v3;
	v2 =	vadd.s32 s5, v60  }
0x47: {  	vm14 =	vlt.s32 v2, $0x8F;
	v0 =	vadd.s32 v61, v0  }
0x48: {  	v2 =	vnsel vm14, $0x8F, v2;
	_ =	sdelay $0x3  }
0x49: {  	[tilespmem:v0+s29+$0x0] =	vst.idx.msk $0xffff, v4  }
0x4a: {  	v0 =	vld.idx.msk [tilespmem:v2+s28+$0x0], $0xffff  }
0x4b: {  	v1 =	vmul.u32 $0xFFFFFFFF, v1;
	_ =	sdelay $0x1  }
0x4c: {  	v62 =	vmov s2;
	v1 =	vadd.s32 $0x78F, v1  }
0x4d: {  	v63 =	vor.u32 $0x3800, v3;
	vm15 =	vne.s32 v62, v1  }
0x4e: {  	v0 =	vadd.s32 v63, v0;
	_ =	sdelay $0x3  }
0x4f: {  	s30 =	sshll.u32 s0, $0xB  }
0x50: {  	s31 =	simm.s32 $0x2;
	s2 =	sadd.s32 s3, s30;
	[tilespmem:v0+s29+$0x0] =	vst.idx.msk vm15, v4  }
0x51: {  	[hbm4b:s2+s28] =	stream.linear.scatter [tilespmem:s29], [sflag:$0x2], $0x4000, $0x38;
	[tilespmem:$0x4100] =	vst v63  }
0x52: {  	_ =	swait.ge [sflag:s31], $0x4000  }
0x53: {  	[sflag:s31] =	ssyncset.done $0x0  }
0x54: {  	[sflag:s31] =	ssyncadd.s32 $0xFFFFC000  }
0x55: {  	_ =	sfence.sel $0x180000  }
0x56: {  	[bflag:$0x0] =	sbarrier.arrive $0xFFFF  }
0x57: {  	p0 =	sne.s32 s0, $0x0;
	_ =	strace $0x90000047  }
0x58: {  	s0 =	sadd.s32 @!p0 $0x100000, s1;
	[bflag:$0x2] =	sbarrier.arrive $0xFFFF  }
0x59: {  	[sflag:s0] =	ssyncadd.tile.s32 @!p0 $0x1;
	_ =	shalt  }
.Lfunc_end2:
_tile_overlayer_lowered:
.L_overlay_start_2:
0x5a: {  	(tag) =	ssettag $0x2  }
0x5b: {  	s0 =	rddreg [dreg:$0x0];
	s2 =	stileid.u32  }
0x5c: {  	s1 =	rddreg [dreg:$0x1];
	p0 =	sne.s32 s2, $0x0  }
0x5d: {  	s3 =	rddreg [dreg:$0x2];
	[bflag:$0x3] =	sbarrier.arrive $0xFFFF;
	s2 =	simm.s32 @!p0 $0x1C02  }
0x5e: {  	[timem:s3], [sflag:s2] =	dma.local @!p0 [hbm:s0], s1  }
0x5f: {  	s0 =	simm.s32 @!p0 $0x2  }
0x60: {  	_ =	swait.ge @!p0 [sflag:s0], s1  }
0x61: {  	s1 =	ssub.s32 @!p0 $0x0, s1;
	[sflag:s0] =	ssyncset.done @!p0 $0x0  }
0x62: {  	[sflag:s0] =	ssyncadd.s32 @!p0 s1  }
0x63: {  	[bflag:$0x3] =	sbarrier.arrive $0xFFFF  }
0x64: {  	_ =	shalt  }

</sc_bundles>
